<compile_context>
chip_gen: v7x
topology: tpu7x:2x2x1
jax: 0.10.2.dev20260603
libtpu: 0.0.44.dev20260713+nightly
codegen_flags: <defaults>
</compile_context>

<pallas_src>
import jax
import jax.numpy as jnp
from jax import lax
from jax.experimental import pallas as pl
from jax.experimental.pallas import tpu as pltpu
from jax.experimental.pallas import tpu_sc as plsc

NC, NS = 2, 16
NW = NC * NS
C = 128
T = 25
PER_W = C * T
NSLOT = 4


def _emb_body(idx_hbm, table_hbm, out_hbm, idx_v, b0, b1, b2, b3,
              g0, g1, g2, g3, w0, w1, w2, w3):
    n = out_hbm.shape[0]
    n_idx = idx_hbm.shape[0]
    tail_w = (n_idx - 1) // PER_W
    tail_len = n_idx - tail_w * PER_W
    w = lax.axis_index("s") * NC + lax.axis_index("c")

    @pl.when(w < tail_w)
    def _():
        pltpu.sync_copy(idx_hbm.at[pl.ds(w * PER_W, PER_W)], idx_v)

    @pl.when(w == tail_w)
    def _():
        pltpu.sync_copy(
            idx_hbm.at[pl.ds(tail_w * PER_W, tail_len)],
            idx_v.at[pl.ds(0, tail_len)],
        )

    bufs = (b0, b1, b2, b3)
    gsems = (g0, g1, g2, g3)
    wsems = (w0, w1, w2, w3)

    def pred(t):
        return (t >= 0) & (t < T) & ((w * T + t) * C + C <= n)

    def gather_desc(t, b):
        return pltpu.make_async_copy(
            table_hbm.at[idx_v.at[pl.ds(t * C, C)]], bufs[b], gsems[b])

    def write_desc(t, b):
        return pltpu.make_async_copy(
            bufs[b], out_hbm.at[pl.ds((w * T + t) * C, C)], wsems[b])

    def body(v, carry):
        for bb in range(NSLOT):
            t = NSLOT * v + bb

            @pl.when(pred(t - NSLOT))
            def _():
                write_desc(t - NSLOT, bb).wait()

            @pl.when(pred(t))
            def _():
                gather_desc(t, bb).start()

            t1 = t - 2
            b1s = (bb - 2) % NSLOT

            @pl.when(pred(t1))
            def _():
                gather_desc(t1, b1s).wait()
                write_desc(t1, b1s).start()

        return carry

    n_pos = T + NSLOT + 2
    lax.fori_loop(0, (n_pos + NSLOT - 1) // NSLOT, body, 0)

    rem = n - (n // C) * C
    if rem:
        t_start = n - rem
        t_worker = t_start // PER_W
        loc = t_start - t_worker * PER_W

        @pl.when(w == t_worker)
        def _():
            pltpu.async_copy(
                table_hbm.at[idx_v.at[pl.ds(loc, rem)]],
                b0.at[pl.ds(0, rem)], g0,
            ).wait()
            pltpu.sync_copy(b0.at[pl.ds(0, rem)], out_hbm.at[pl.ds(t_start, rem)])


def kernel(node_id, img_h, txt_h, table):
    n = node_id.shape[0]
    idx = node_id.astype(jnp.int32)
    mesh = plsc.VectorSubcoreMesh(core_axis_name="c", subcore_axis_name="s")
    buf = pltpu.VMEM((C, table.shape[1]), jnp.float32)
    f = pl.kernel(
        _emb_body,
        out_type=jax.ShapeDtypeStruct((n, table.shape[1]), table.dtype),
        mesh=mesh,
        scratch_types=[pltpu.VMEM((PER_W,), jnp.int32), buf, buf, buf, buf]
        + [pltpu.SemaphoreType.DMA] * 8,
    )
    return f(idx, table)

# --- scband reference (transcript-rebuilt; emitter-appended) ---
"""Pipeline reference for scband-embedding-layer-40106404610516 (READ-ONLY COPY).

The authoritative reference and input builder live on the scoring server;
editing this copy changes nothing except your own understanding.
"""

import jax, jax.numpy as jnp
import numpy as np

NUM_NODES = 100000
H_DIM = 128
N = 100000

def setup_inputs(seed: int = 0) -> dict:
    key = jax.random.key(seed)
    k1, k2, k3, k4 = jax.random.split(key, 4)
    node_id = jax.random.randint(k1, (N,), 0, NUM_NODES, dtype=jnp.int64 if jax.config.jax_enable_x64 else jnp.int32)
    img_h = jax.random.normal(k2, (N, H_DIM), dtype=jnp.float32)
    txt_h = jax.random.normal(k3, (N, H_DIM), dtype=jnp.float32)
    # nn.Embedding default init: N(0, 1)
    table = jax.random.normal(k4, (NUM_NODES, H_DIM), dtype=jnp.float32)
    return {"node_id": node_id, "img_h": img_h, "txt_h": txt_h, "table": table}

def reference(node_id, img_h, txt_h, table):
    # forward: emb = self.embedding(g.ndata['node_id']); img_h/txt_h unused
    emb = jnp.take(table, node_id, axis=0)
    return emb

if __name__ == "__main__":
    import jax
    _d = setup_inputs()
    print(jax.jit(kernel)(*tuple(_d.values())))

</pallas_src>

<mosaic_0001>
#map = affine_map<(d0, d1) -> (0)>
#map1 = affine_map<(d0, d1) -> (0, 0)>
module attributes {stable_mosaic.version = 14 : i64} {
  func.func @_emb_body(%arg0: i32, %arg1: i32, %arg2: memref<100000xi32, #tpu.memory_space<hbm>>, %arg3: memref<100000x128xf32, #tpu.memory_space<hbm>>, %arg4: memref<100000x128xf32, #tpu.memory_space<hbm>>, %arg5: memref<3200xi32, #tpu.memory_space<vmem>>, %arg6: memref<128x128xf32, #tpu.memory_space<vmem>>, %arg7: memref<128x128xf32, #tpu.memory_space<vmem>>, %arg8: memref<128x128xf32, #tpu.memory_space<vmem>>, %arg9: memref<128x128xf32, #tpu.memory_space<vmem>>, %arg10: memref<!tpu.dma_semaphore, #tpu.memory_space<semaphore_mem>>, %arg11: memref<!tpu.dma_semaphore, #tpu.memory_space<semaphore_mem>>, %arg12: memref<!tpu.dma_semaphore, #tpu.memory_space<semaphore_mem>>, %arg13: memref<!tpu.dma_semaphore, #tpu.memory_space<semaphore_mem>>, %arg14: memref<!tpu.dma_semaphore, #tpu.memory_space<semaphore_mem>>, %arg15: memref<!tpu.dma_semaphore, #tpu.memory_space<semaphore_mem>>, %arg16: memref<!tpu.dma_semaphore, #tpu.memory_space<semaphore_mem>>, %arg17: memref<!tpu.dma_semaphore, #tpu.memory_space<semaphore_mem>>) attributes {dimension_semantics = [#tpu.dimension_semantics<core_parallel>, #tpu.dimension_semantics<subcore_parallel>], iteration_bounds = array<i64: 2, 16>, scalar_prefetch = 0 : i64, scratch_operands = 13 : i64, tpu.core_type = #tpu.core_type<sc_vector_subcore>, window_params = [{transform_indices = #map}, {transform_indices = #map1}, {transform_indices = #map1}]} {
    %mul3A = arith.constant 2 : i32
    %mul3A_0 = arith.muli %arg1, %mul3A : i32
    %add3A = arith.addi %mul3A_0, %arg0 : i32
    %lt3A = arith.constant 31 : i32
    %lt3A_1 = arith.cmpi slt, %add3A, %lt3A : i32
    %convert_element_type3A = arith.extui %lt3A_1 : i1 to i32
    %cond3A = arith.constant 0 : i32
    %cond3A_2 = arith.cmpi ne, %convert_element_type3A, %cond3A : i32
    scf.if %cond3A_2 {
      %mul3A_17 = arith.constant 3200 : i32
      %mul3A_18 = arith.muli %add3A, %mul3A_17 : i32
      "tpu.region"() ({
        %run_scoped3A = tpu.sem_alloc : memref<!tpu.dma_semaphore, #tpu.memory_space<semaphore_mem>>
        %dma_start3A = tpu.memref_slice %arg2[%mul3A_18] : memref<100000xi32, #tpu.memory_space<hbm>> -> memref<3200xi32, #tpu.memory_space<hbm>>
        %dma_start3A_19 = tpu.memref_slice %arg2[%mul3A_18] : memref<100000xi32, #tpu.memory_space<hbm>> -> memref<3200xi32, #tpu.memory_space<hbm>>
        tpu.enqueue_dma source(%dma_start3A_19 : memref<3200xi32, #tpu.memory_space<hbm>>) target(%arg5 : memref<3200xi32, #tpu.memory_space<vmem>>) target_semaphore(%run_scoped3A : memref<!tpu.dma_semaphore, #tpu.memory_space<semaphore_mem>>)
        %dma_wait3A = tpu.memref_slice %arg2[%mul3A_18] : memref<100000xi32, #tpu.memory_space<hbm>> -> memref<3200xi32, #tpu.memory_space<hbm>>
        %dma_wait3A_20 = tpu.memref_slice %arg2[%mul3A_18] : memref<100000xi32, #tpu.memory_space<hbm>> -> memref<3200xi32, #tpu.memory_space<hbm>>
        tpu.wait_dma2 semaphore(%run_scoped3A : memref<!tpu.dma_semaphore, #tpu.memory_space<semaphore_mem>>) src(%dma_wait3A_20 : memref<3200xi32, #tpu.memory_space<hbm>>) dst(%arg5 : memref<3200xi32, #tpu.memory_space<vmem>>)
        tpu.yield
      }) : () -> ()
    } else {
    }
    %eq3A = arith.constant 31 : i32
    %eq3A_3 = arith.cmpi eq, %add3A, %eq3A : i32
    %convert_element_type3A_4 = arith.extui %eq3A_3 : i1 to i32
    %cond3A_5 = arith.constant 0 : i32
    %cond3A_6 = arith.cmpi ne, %convert_element_type3A_4, %cond3A_5 : i32
    scf.if %cond3A_6 {
      "tpu.region"() ({
        %run_scoped3A = tpu.sem_alloc : memref<!tpu.dma_semaphore, #tpu.memory_space<semaphore_mem>>
        %dma_start3A = arith.constant 0 : i32
        %dma_start3A_17 = tpu.memref_slice %arg5[%dma_start3A] : memref<3200xi32, #tpu.memory_space<vmem>> -> memref<800xi32, #tpu.memory_space<vmem>>
        %dma_start3A_18 = arith.constant 99200 : i32
        %dma_start3A_19 = tpu.memref_slice %arg2[%dma_start3A_18] : memref<100000xi32, #tpu.memory_space<hbm>> -> memref<800xi32, #tpu.memory_space<hbm>>
        %dma_start3A_20 = arith.constant 0 : i32
        %dma_start3A_21 = tpu.memref_slice %arg5[%dma_start3A_20] : memref<3200xi32, #tpu.memory_space<vmem>> -> memref<800xi32, #tpu.memory_space<vmem>>
        %dma_start3A_22 = arith.constant 99200 : i32
        %dma_start3A_23 = tpu.memref_slice %arg2[%dma_start3A_22] : memref<100000xi32, #tpu.memory_space<hbm>> -> memref<800xi32, #tpu.memory_space<hbm>>
        tpu.enqueue_dma source(%dma_start3A_23 : memref<800xi32, #tpu.memory_space<hbm>>) target(%dma_start3A_21 : memref<800xi32, #tpu.memory_space<vmem>>) target_semaphore(%run_scoped3A : memref<!tpu.dma_semaphore, #tpu.memory_space<semaphore_mem>>)
        %dma_wait3A = arith.constant 0 : i32
        %dma_wait3A_24 = tpu.memref_slice %arg5[%dma_wait3A] : memref<3200xi32, #tpu.memory_space<vmem>> -> memref<800xi32, #tpu.memory_space<vmem>>
        %dma_wait3A_25 = arith.constant 99200 : i32
        %dma_wait3A_26 = tpu.memref_slice %arg2[%dma_wait3A_25] : memref<100000xi32, #tpu.memory_space<hbm>> -> memref<800xi32, #tpu.memory_space<hbm>>
        %dma_wait3A_27 = arith.constant 0 : i32
        %dma_wait3A_28 = tpu.memref_slice %arg5[%dma_wait3A_27] : memref<3200xi32, #tpu.memory_space<vmem>> -> memref<800xi32, #tpu.memory_space<vmem>>
        %dma_wait3A_29 = arith.constant 99200 : i32
        %dma_wait3A_30 = tpu.memref_slice %arg2[%dma_wait3A_29] : memref<100000xi32, #tpu.memory_space<hbm>> -> memref<800xi32, #tpu.memory_space<hbm>>
        tpu.wait_dma2 semaphore(%run_scoped3A : memref<!tpu.dma_semaphore, #tpu.memory_space<semaphore_mem>>) src(%dma_wait3A_30 : memref<800xi32, #tpu.memory_space<hbm>>) dst(%dma_wait3A_28 : memref<800xi32, #tpu.memory_space<vmem>>)
        tpu.yield
      }) : () -> ()
    } else {
    }
    %scan3A = arith.constant 0 : i32
    %scan3A_7 = arith.constant 0 : i32
    %scan3A_8 = arith.constant 8 : i32
    %scan3A_9 = arith.addi %scan3A_7, %scan3A_8 : i32
    %scan3A_10 = arith.constant 1 : i32
    scf.for %scan3A_17 = %scan3A_7 to %scan3A_9 step %scan3A_10  : i32 {
      %mul3A_18 = arith.constant 4 : i32
      %mul3A_19 = arith.muli %mul3A_18, %scan3A_17 : i32
      %add3A_20 = arith.constant 0 : i32
      %add3A_21 = arith.addi %mul3A_19, %add3A_20 : i32
      %sub3A = arith.constant 4 : i32
      %sub3A_22 = arith.subi %add3A_21, %sub3A : i32
      %ge3A = arith.constant 0 : i32
      %ge3A_23 = arith.cmpi sge, %sub3A_22, %ge3A : i32
      %lt3A_24 = arith.constant 25 : i32
      %lt3A_25 = arith.cmpi slt, %sub3A_22, %lt3A_24 : i32
      %and3A = arith.andi %ge3A_23, %lt3A_25 : i1
      %mul3A_26 = arith.constant 25 : i32
      %mul3A_27 = arith.muli %add3A, %mul3A_26 : i32
      %add3A_28 = arith.addi %mul3A_27, %sub3A_22 : i32
      %mul3A_29 = arith.constant 128 : i32
      %mul3A_30 = arith.muli %add3A_28, %mul3A_29 : i32
      %add3A_31 = arith.constant 128 : i32
      %add3A_32 = arith.addi %mul3A_30, %add3A_31 : i32
      %le3A = arith.constant 100000 : i32
      %le3A_33 = arith.cmpi sle, %add3A_32, %le3A : i32
      %and3A_34 = arith.andi %and3A, %le3A_33 : i1
      %convert_element_type3A_35 = arith.extui %and3A_34 : i1 to i32
      %cond3A_36 = arith.constant 0 : i32
      %cond3A_37 = arith.cmpi ne, %convert_element_type3A_35, %cond3A_36 : i32
      scf.if %cond3A_37 {
        %sub3A_262 = arith.constant 4 : i32
        %sub3A_263 = arith.subi %add3A_21, %sub3A_262 : i32
        %mul3A_264 = arith.constant 25 : i32
        %mul3A_265 = arith.muli %add3A, %mul3A_264 : i32
        %add3A_266 = arith.addi %mul3A_265, %sub3A_263 : i32
        %mul3A_267 = arith.constant 128 : i32
        %mul3A_268 = arith.muli %add3A_266, %mul3A_267 : i32
        %dma_wait3A = arith.constant 0 : i32
        %dma_wait3A_269 = tpu.memref_slice %arg4[%mul3A_268, %dma_wait3A] : memref<100000x128xf32, #tpu.memory_space<hbm>> -> memref<128x128xf32, #tpu.memory_space<hbm>>
        %dma_wait3A_270 = arith.constant 0 : i32
        %dma_wait3A_271 = tpu.memref_slice %arg4[%mul3A_268, %dma_wait3A_270] : memref<100000x128xf32, #tpu.memory_space<hbm>> -> memref<128x128xf32, #tpu.memory_space<hbm>>
        tpu.wait_dma2 semaphore(%arg14 : memref<!tpu.dma_semaphore, #tpu.memory_space<semaphore_mem>>) src(%arg6 : memref<128x128xf32, #tpu.memory_space<vmem>>) dst(%dma_wait3A_271 : memref<128x128xf32, #tpu.memory_space<hbm>>)
      } else {
      }
      %ge3A_38 = arith.constant 0 : i32
      %ge3A_39 = arith.cmpi sge, %add3A_21, %ge3A_38 : i32
      %lt3A_40 = arith.constant 25 : i32
      %lt3A_41 = arith.cmpi slt, %add3A_21, %lt3A_40 : i32
      %and3A_42 = arith.andi %ge3A_39, %lt3A_41 : i1
      %mul3A_43 = arith.constant 25 : i32
      %mul3A_44 = arith.muli %add3A, %mul3A_43 : i32
      %add3A_45 = arith.addi %mul3A_44, %add3A_21 : i32
      %mul3A_46 = arith.constant 128 : i32
      %mul3A_47 = arith.muli %add3A_45, %mul3A_46 : i32
      %add3A_48 = arith.constant 128 : i32
      %add3A_49 = arith.addi %mul3A_47, %add3A_48 : i32
      %le3A_50 = arith.constant 100000 : i32
      %le3A_51 = arith.cmpi sle, %add3A_49, %le3A_50 : i32
      %and3A_52 = arith.andi %and3A_42, %le3A_51 : i1
      %convert_element_type3A_53 = arith.extui %and3A_52 : i1 to i32
      %cond3A_54 = arith.constant 0 : i32
      %cond3A_55 = arith.cmpi ne, %convert_element_type3A_53, %cond3A_54 : i32
      scf.if %cond3A_55 {
        %mul3A_262 = arith.constant 128 : i32
        %mul3A_263 = arith.muli %add3A_21, %mul3A_262 : i32
        %dma_start3A = tpu.memref_slice %arg5[%mul3A_263] : memref<3200xi32, #tpu.memory_space<vmem>> -> memref<128xi32, #tpu.memory_space<vmem>>
        %dma_start3A_264 = arith.constant 0 : i32
        %dma_start3A_265 = arith.constant 0 : i32
        %dma_start3A_266 = tpu.memref_slice %arg3[%dma_start3A_264, %dma_start3A_265] : memref<100000x128xf32, #tpu.memory_space<hbm>> -> memref<100000x128xf32, #tpu.memory_space<hbm>>
        tpu.enqueue_indirect_dma source(%dma_start3A_266 : memref<100000x128xf32, #tpu.memory_space<hbm>>) target(%arg6 : memref<128x128xf32, #tpu.memory_space<vmem>>) offsets(%dma_start3A : memref<128xi32, #tpu.memory_space<vmem>>) semaphore(%arg10 : memref<!tpu.dma_semaphore, #tpu.memory_space<semaphore_mem>>)
      } else {
      }
      %sub3A_56 = arith.constant 2 : i32
      %sub3A_57 = arith.subi %add3A_21, %sub3A_56 : i32
      %ge3A_58 = arith.constant 0 : i32
      %ge3A_59 = arith.cmpi sge, %sub3A_57, %ge3A_58 : i32
      %lt3A_60 = arith.constant 25 : i32
      %lt3A_61 = arith.cmpi slt, %sub3A_57, %lt3A_60 : i32
      %and3A_62 = arith.andi %ge3A_59, %lt3A_61 : i1
      %mul3A_63 = arith.constant 25 : i32
      %mul3A_64 = arith.muli %add3A, %mul3A_63 : i32
      %add3A_65 = arith.addi %mul3A_64, %sub3A_57 : i32
      %mul3A_66 = arith.constant 128 : i32
      %mul3A_67 = arith.muli %add3A_65, %mul3A_66 : i32
      %add3A_68 = arith.constant 128 : i32
      %add3A_69 = arith.addi %mul3A_67, %add3A_68 : i32
      %le3A_70 = arith.constant 100000 : i32
      %le3A_71 = arith.cmpi sle, %add3A_69, %le3A_70 : i32
      %and3A_72 = arith.andi %and3A_62, %le3A_71 : i1
      %convert_element_type3A_73 = arith.extui %and3A_72 : i1 to i32
      %cond3A_74 = arith.constant 0 : i32
      %cond3A_75 = arith.cmpi ne, %convert_element_type3A_73, %cond3A_74 : i32
      scf.if %cond3A_75 {
        %mul3A_262 = arith.constant 128 : i32
        %mul3A_263 = arith.muli %sub3A_57, %mul3A_262 : i32
        %dma_wait3A = tpu.memref_slice %arg5[%mul3A_263] : memref<3200xi32, #tpu.memory_space<vmem>> -> memref<128xi32, #tpu.memory_space<vmem>>
        %dma_wait3A_264 = arith.constant 0 : i32
        %dma_wait3A_265 = arith.constant 0 : i32
        %dma_wait3A_266 = tpu.memref_slice %arg3[%dma_wait3A_264, %dma_wait3A_265] : memref<100000x128xf32, #tpu.memory_space<hbm>> -> memref<100000x128xf32, #tpu.memory_space<hbm>>
        tpu.wait_indirect_dma semaphore(%arg12 : memref<!tpu.dma_semaphore, #tpu.memory_space<semaphore_mem>>) src(%dma_wait3A_266 : memref<100000x128xf32, #tpu.memory_space<hbm>>) dst(%arg8 : memref<128x128xf32, #tpu.memory_space<vmem>>)
        %mul3A_267 = arith.constant 25 : i32
        %mul3A_268 = arith.muli %add3A, %mul3A_267 : i32
        %add3A_269 = arith.addi %mul3A_268, %sub3A_57 : i32
        %mul3A_270 = arith.constant 128 : i32
        %mul3A_271 = arith.muli %add3A_269, %mul3A_270 : i32
        %dma_start3A = arith.constant 0 : i32
        %dma_start3A_272 = tpu.memref_slice %arg4[%mul3A_271, %dma_start3A] : memref<100000x128xf32, #tpu.memory_space<hbm>> -> memref<128x128xf32, #tpu.memory_space<hbm>>
        %dma_start3A_273 = arith.constant 0 : i32
        %dma_start3A_274 = tpu.memref_slice %arg4[%mul3A_271, %dma_start3A_273] : memref<100000x128xf32, #tpu.memory_space<hbm>> -> memref<128x128xf32, #tpu.memory_space<hbm>>
        tpu.enqueue_dma source(%arg8 : memref<128x128xf32, #tpu.memory_space<vmem>>) target(%dma_start3A_274 : memref<128x128xf32, #tpu.memory_space<hbm>>) target_semaphore(%arg16 : memref<!tpu.dma_semaphore, #tpu.memory_space<semaphore_mem>>)
      } else {
      }
      %mul3A_76 = arith.constant 4 : i32
      %mul3A_77 = arith.muli %mul3A_76, %scan3A_17 : i32
      %add3A_78 = arith.constant 1 : i32
      %add3A_79 = arith.addi %mul3A_77, %add3A_78 : i32
      %sub3A_80 = arith.constant 4 : i32
      %sub3A_81 = arith.subi %add3A_79, %sub3A_80 : i32
      %ge3A_82 = arith.constant 0 : i32
      %ge3A_83 = arith.cmpi sge, %sub3A_81, %ge3A_82 : i32
      %lt3A_84 = arith.constant 25 : i32
      %lt3A_85 = arith.cmpi slt, %sub3A_81, %lt3A_84 : i32
      %and3A_86 = arith.andi %ge3A_83, %lt3A_85 : i1
      %mul3A_87 = arith.constant 25 : i32
      %mul3A_88 = arith.muli %add3A, %mul3A_87 : i32
      %add3A_89 = arith.addi %mul3A_88, %sub3A_81 : i32
      %mul3A_90 = arith.constant 128 : i32
      %mul3A_91 = arith.muli %add3A_89, %mul3A_90 : i32
      %add3A_92 = arith.constant 128 : i32
      %add3A_93 = arith.addi %mul3A_91, %add3A_92 : i32
      %le3A_94 = arith.constant 100000 : i32
      %le3A_95 = arith.cmpi sle, %add3A_93, %le3A_94 : i32
      %and3A_96 = arith.andi %and3A_86, %le3A_95 : i1
      %convert_element_type3A_97 = arith.extui %and3A_96 : i1 to i32
      %cond3A_98 = arith.constant 0 : i32
      %cond3A_99 = arith.cmpi ne, %convert_element_type3A_97, %cond3A_98 : i32
      scf.if %cond3A_99 {
        %sub3A_262 = arith.constant 4 : i32
        %sub3A_263 = arith.subi %add3A_79, %sub3A_262 : i32
        %mul3A_264 = arith.constant 25 : i32
        %mul3A_265 = arith.muli %add3A, %mul3A_264 : i32
        %add3A_266 = arith.addi %mul3A_265, %sub3A_263 : i32
        %mul3A_267 = arith.constant 128 : i32
        %mul3A_268 = arith.muli %add3A_266, %mul3A_267 : i32
        %dma_wait3A = arith.constant 0 : i32
        %dma_wait3A_269 = tpu.memref_slice %arg4[%mul3A_268, %dma_wait3A] : memref<100000x128xf32, #tpu.memory_space<hbm>> -> memref<128x128xf32, #tpu.memory_space<hbm>>
        %dma_wait3A_270 = arith.constant 0 : i32
        %dma_wait3A_271 = tpu.memref_slice %arg4[%mul3A_268, %dma_wait3A_270] : memref<100000x128xf32, #tpu.memory_space<hbm>> -> memref<128x128xf32, #tpu.memory_space<hbm>>
        tpu.wait_dma2 semaphore(%arg15 : memref<!tpu.dma_semaphore, #tpu.memory_space<semaphore_mem>>) src(%arg7 : memref<128x128xf32, #tpu.memory_space<vmem>>) dst(%dma_wait3A_271 : memref<128x128xf32, #tpu.memory_space<hbm>>)
      } else {
      }
      %ge3A_100 = arith.constant 0 : i32
      %ge3A_101 = arith.cmpi sge, %add3A_79, %ge3A_100 : i32
      %lt3A_102 = arith.constant 25 : i32
      %lt3A_103 = arith.cmpi slt, %add3A_79, %lt3A_102 : i32
      %and3A_104 = arith.andi %ge3A_101, %lt3A_103 : i1
      %mul3A_105 = arith.constant 25 : i32
      %mul3A_106 = arith.muli %add3A, %mul3A_105 : i32
      %add3A_107 = arith.addi %mul3A_106, %add3A_79 : i32
      %mul3A_108 = arith.constant 128 : i32
      %mul3A_109 = arith.muli %add3A_107, %mul3A_108 : i32
      %add3A_110 = arith.constant 128 : i32
      %add3A_111 = arith.addi %mul3A_109, %add3A_110 : i32
      %le3A_112 = arith.constant 100000 : i32
      %le3A_113 = arith.cmpi sle, %add3A_111, %le3A_112 : i32
      %and3A_114 = arith.andi %and3A_104, %le3A_113 : i1
      %convert_element_type3A_115 = arith.extui %and3A_114 : i1 to i32
      %cond3A_116 = arith.constant 0 : i32
      %cond3A_117 = arith.cmpi ne, %convert_element_type3A_115, %cond3A_116 : i32
      scf.if %cond3A_117 {
        %mul3A_262 = arith.constant 128 : i32
        %mul3A_263 = arith.muli %add3A_79, %mul3A_262 : i32
        %dma_start3A = tpu.memref_slice %arg5[%mul3A_263] : memref<3200xi32, #tpu.memory_space<vmem>> -> memref<128xi32, #tpu.memory_space<vmem>>
        %dma_start3A_264 = arith.constant 0 : i32
        %dma_start3A_265 = arith.constant 0 : i32
        %dma_start3A_266 = tpu.memref_slice %arg3[%dma_start3A_264, %dma_start3A_265] : memref<100000x128xf32, #tpu.memory_space<hbm>> -> memref<100000x128xf32, #tpu.memory_space<hbm>>
        tpu.enqueue_indirect_dma source(%dma_start3A_266 : memref<100000x128xf32, #tpu.memory_space<hbm>>) target(%arg7 : memref<128x128xf32, #tpu.memory_space<vmem>>) offsets(%dma_start3A : memref<128xi32, #tpu.memory_space<vmem>>) semaphore(%arg11 : memref<!tpu.dma_semaphore, #tpu.memory_space<semaphore_mem>>)
      } else {
      }
      %sub3A_118 = arith.constant 2 : i32
      %sub3A_119 = arith.subi %add3A_79, %sub3A_118 : i32
      %ge3A_120 = arith.constant 0 : i32
      %ge3A_121 = arith.cmpi sge, %sub3A_119, %ge3A_120 : i32
      %lt3A_122 = arith.constant 25 : i32
      %lt3A_123 = arith.cmpi slt, %sub3A_119, %lt3A_122 : i32
      %and3A_124 = arith.andi %ge3A_121, %lt3A_123 : i1
      %mul3A_125 = arith.constant 25 : i32
      %mul3A_126 = arith.muli %add3A, %mul3A_125 : i32
      %add3A_127 = arith.addi %mul3A_126, %sub3A_119 : i32
      %mul3A_128 = arith.constant 128 : i32
      %mul3A_129 = arith.muli %add3A_127, %mul3A_128 : i32
      %add3A_130 = arith.constant 128 : i32
      %add3A_131 = arith.addi %mul3A_129, %add3A_130 : i32
      %le3A_132 = arith.constant 100000 : i32
      %le3A_133 = arith.cmpi sle, %add3A_131, %le3A_132 : i32
      %and3A_134 = arith.andi %and3A_124, %le3A_133 : i1
      %convert_element_type3A_135 = arith.extui %and3A_134 : i1 to i32
      %cond3A_136 = arith.constant 0 : i32
      %cond3A_137 = arith.cmpi ne, %convert_element_type3A_135, %cond3A_136 : i32
      scf.if %cond3A_137 {
        %mul3A_262 = arith.constant 128 : i32
        %mul3A_263 = arith.muli %sub3A_119, %mul3A_262 : i32
        %dma_wait3A = tpu.memref_slice %arg5[%mul3A_263] : memref<3200xi32, #tpu.memory_space<vmem>> -> memref<128xi32, #tpu.memory_space<vmem>>
        %dma_wait3A_264 = arith.constant 0 : i32
        %dma_wait3A_265 = arith.constant 0 : i32
        %dma_wait3A_266 = tpu.memref_slice %arg3[%dma_wait3A_264, %dma_wait3A_265] : memref<100000x128xf32, #tpu.memory_space<hbm>> -> memref<100000x128xf32, #tpu.memory_space<hbm>>
        tpu.wait_indirect_dma semaphore(%arg13 : memref<!tpu.dma_semaphore, #tpu.memory_space<semaphore_mem>>) src(%dma_wait3A_266 : memref<100000x128xf32, #tpu.memory_space<hbm>>) dst(%arg9 : memref<128x128xf32, #tpu.memory_space<vmem>>)
        %mul3A_267 = arith.constant 25 : i32
        %mul3A_268 = arith.muli %add3A, %mul3A_267 : i32
        %add3A_269 = arith.addi %mul3A_268, %sub3A_119 : i32
        %mul3A_270 = arith.constant 128 : i32
        %mul3A_271 = arith.muli %add3A_269, %mul3A_270 : i32
        %dma_start3A = arith.constant 0 : i32
        %dma_start3A_272 = tpu.memref_slice %arg4[%mul3A_271, %dma_start3A] : memref<100000x128xf32, #tpu.memory_space<hbm>> -> memref<128x128xf32, #tpu.memory_space<hbm>>
        %dma_start3A_273 = arith.constant 0 : i32
        %dma_start3A_274 = tpu.memref_slice %arg4[%mul3A_271, %dma_start3A_273] : memref<100000x128xf32, #tpu.memory_space<hbm>> -> memref<128x128xf32, #tpu.memory_space<hbm>>
        tpu.enqueue_dma source(%arg9 : memref<128x128xf32, #tpu.memory_space<vmem>>) target(%dma_start3A_274 : memref<128x128xf32, #tpu.memory_space<hbm>>) target_semaphore(%arg17 : memref<!tpu.dma_semaphore, #tpu.memory_space<semaphore_mem>>)
      } else {
      }
      %mul3A_138 = arith.constant 4 : i32
      %mul3A_139 = arith.muli %mul3A_138, %scan3A_17 : i32
      %add3A_140 = arith.constant 2 : i32
      %add3A_141 = arith.addi %mul3A_139, %add3A_140 : i32
      %sub3A_142 = arith.constant 4 : i32
      %sub3A_143 = arith.subi %add3A_141, %sub3A_142 : i32
      %ge3A_144 = arith.constant 0 : i32
      %ge3A_145 = arith.cmpi sge, %sub3A_143, %ge3A_144 : i32
      %lt3A_146 = arith.constant 25 : i32
      %lt3A_147 = arith.cmpi slt, %sub3A_143, %lt3A_146 : i32
      %and3A_148 = arith.andi %ge3A_145, %lt3A_147 : i1
      %mul3A_149 = arith.constant 25 : i32
      %mul3A_150 = arith.muli %add3A, %mul3A_149 : i32
      %add3A_151 = arith.addi %mul3A_150, %sub3A_143 : i32
      %mul3A_152 = arith.constant 128 : i32
      %mul3A_153 = arith.muli %add3A_151, %mul3A_152 : i32
      %add3A_154 = arith.constant 128 : i32
      %add3A_155 = arith.addi %mul3A_153, %add3A_154 : i32
      %le3A_156 = arith.constant 100000 : i32
      %le3A_157 = arith.cmpi sle, %add3A_155, %le3A_156 : i32
      %and3A_158 = arith.andi %and3A_148, %le3A_157 : i1
      %convert_element_type3A_159 = arith.extui %and3A_158 : i1 to i32
      %cond3A_160 = arith.constant 0 : i32
      %cond3A_161 = arith.cmpi ne, %convert_element_type3A_159, %cond3A_160 : i32
      scf.if %cond3A_161 {
        %sub3A_262 = arith.constant 4 : i32
        %sub3A_263 = arith.subi %add3A_141, %sub3A_262 : i32
        %mul3A_264 = arith.constant 25 : i32
        %mul3A_265 = arith.muli %add3A, %mul3A_264 : i32
        %add3A_266 = arith.addi %mul3A_265, %sub3A_263 : i32
        %mul3A_267 = arith.constant 128 : i32
        %mul3A_268 = arith.muli %add3A_266, %mul3A_267 : i32
        %dma_wait3A = arith.constant 0 : i32
        %dma_wait3A_269 = tpu.memref_slice %arg4[%mul3A_268, %dma_wait3A] : memref<100000x128xf32, #tpu.memory_space<hbm>> -> memref<128x128xf32, #tpu.memory_space<hbm>>
        %dma_wait3A_270 = arith.constant 0 : i32
        %dma_wait3A_271 = tpu.memref_slice %arg4[%mul3A_268, %dma_wait3A_270] : memref<100000x128xf32, #tpu.memory_space<hbm>> -> memref<128x128xf32, #tpu.memory_space<hbm>>
        tpu.wait_dma2 semaphore(%arg16 : memref<!tpu.dma_semaphore, #tpu.memory_space<semaphore_mem>>) src(%arg8 : memref<128x128xf32, #tpu.memory_space<vmem>>) dst(%dma_wait3A_271 : memref<128x128xf32, #tpu.memory_space<hbm>>)
      } else {
      }
      %ge3A_162 = arith.constant 0 : i32
      %ge3A_163 = arith.cmpi sge, %add3A_141, %ge3A_162 : i32
      %lt3A_164 = arith.constant 25 : i32
      %lt3A_165 = arith.cmpi slt, %add3A_141, %lt3A_164 : i32
      %and3A_166 = arith.andi %ge3A_163, %lt3A_165 : i1
      %mul3A_167 = arith.constant 25 : i32
      %mul3A_168 = arith.muli %add3A, %mul3A_167 : i32
      %add3A_169 = arith.addi %mul3A_168, %add3A_141 : i32
      %mul3A_170 = arith.constant 128 : i32
      %mul3A_171 = arith.muli %add3A_169, %mul3A_170 : i32
      %add3A_172 = arith.constant 128 : i32
      %add3A_173 = arith.addi %mul3A_171, %add3A_172 : i32
      %le3A_174 = arith.constant 100000 : i32
      %le3A_175 = arith.cmpi sle, %add3A_173, %le3A_174 : i32
      %and3A_176 = arith.andi %and3A_166, %le3A_175 : i1
      %convert_element_type3A_177 = arith.extui %and3A_176 : i1 to i32
      %cond3A_178 = arith.constant 0 : i32
      %cond3A_179 = arith.cmpi ne, %convert_element_type3A_177, %cond3A_178 : i32
      scf.if %cond3A_179 {
        %mul3A_262 = arith.constant 128 : i32
        %mul3A_263 = arith.muli %add3A_141, %mul3A_262 : i32
        %dma_start3A = tpu.memref_slice %arg5[%mul3A_263] : memref<3200xi32, #tpu.memory_space<vmem>> -> memref<128xi32, #tpu.memory_space<vmem>>
        %dma_start3A_264 = arith.constant 0 : i32
        %dma_start3A_265 = arith.constant 0 : i32
        %dma_start3A_266 = tpu.memref_slice %arg3[%dma_start3A_264, %dma_start3A_265] : memref<100000x128xf32, #tpu.memory_space<hbm>> -> memref<100000x128xf32, #tpu.memory_space<hbm>>
        tpu.enqueue_indirect_dma source(%dma_start3A_266 : memref<100000x128xf32, #tpu.memory_space<hbm>>) target(%arg8 : memref<128x128xf32, #tpu.memory_space<vmem>>) offsets(%dma_start3A : memref<128xi32, #tpu.memory_space<vmem>>) semaphore(%arg12 : memref<!tpu.dma_semaphore, #tpu.memory_space<semaphore_mem>>)
      } else {
      }
      %sub3A_180 = arith.constant 2 : i32
      %sub3A_181 = arith.subi %add3A_141, %sub3A_180 : i32
      %ge3A_182 = arith.constant 0 : i32
      %ge3A_183 = arith.cmpi sge, %sub3A_181, %ge3A_182 : i32
      %lt3A_184 = arith.constant 25 : i32
      %lt3A_185 = arith.cmpi slt, %sub3A_181, %lt3A_184 : i32
      %and3A_186 = arith.andi %ge3A_183, %lt3A_185 : i1
      %mul3A_187 = arith.constant 25 : i32
      %mul3A_188 = arith.muli %add3A, %mul3A_187 : i32
      %add3A_189 = arith.addi %mul3A_188, %sub3A_181 : i32
      %mul3A_190 = arith.constant 128 : i32
      %mul3A_191 = arith.muli %add3A_189, %mul3A_190 : i32
      %add3A_192 = arith.constant 128 : i32
      %add3A_193 = arith.addi %mul3A_191, %add3A_192 : i32
      %le3A_194 = arith.constant 100000 : i32
      %le3A_195 = arith.cmpi sle, %add3A_193, %le3A_194 : i32
      %and3A_196 = arith.andi %and3A_186, %le3A_195 : i1
      %convert_element_type3A_197 = arith.extui %and3A_196 : i1 to i32
      %cond3A_198 = arith.constant 0 : i32
      %cond3A_199 = arith.cmpi ne, %convert_element_type3A_197, %cond3A_198 : i32
      scf.if %cond3A_199 {
        %mul3A_262 = arith.constant 128 : i32
        %mul3A_263 = arith.muli %sub3A_181, %mul3A_262 : i32
        %dma_wait3A = tpu.memref_slice %arg5[%mul3A_263] : memref<3200xi32, #tpu.memory_space<vmem>> -> memref<128xi32, #tpu.memory_space<vmem>>
        %dma_wait3A_264 = arith.constant 0 : i32
        %dma_wait3A_265 = arith.constant 0 : i32
        %dma_wait3A_266 = tpu.memref_slice %arg3[%dma_wait3A_264, %dma_wait3A_265] : memref<100000x128xf32, #tpu.memory_space<hbm>> -> memref<100000x128xf32, #tpu.memory_space<hbm>>
        tpu.wait_indirect_dma semaphore(%arg10 : memref<!tpu.dma_semaphore, #tpu.memory_space<semaphore_mem>>) src(%dma_wait3A_266 : memref<100000x128xf32, #tpu.memory_space<hbm>>) dst(%arg6 : memref<128x128xf32, #tpu.memory_space<vmem>>)
        %mul3A_267 = arith.constant 25 : i32
        %mul3A_268 = arith.muli %add3A, %mul3A_267 : i32
        %add3A_269 = arith.addi %mul3A_268, %sub3A_181 : i32
        %mul3A_270 = arith.constant 128 : i32
        %mul3A_271 = arith.muli %add3A_269, %mul3A_270 : i32
        %dma_start3A = arith.constant 0 : i32
        %dma_start3A_272 = tpu.memref_slice %arg4[%mul3A_271, %dma_start3A] : memref<100000x128xf32, #tpu.memory_space<hbm>> -> memref<128x128xf32, #tpu.memory_space<hbm>>
        %dma_start3A_273 = arith.constant 0 : i32
        %dma_start3A_274 = tpu.memref_slice %arg4[%mul3A_271, %dma_start3A_273] : memref<100000x128xf32, #tpu.memory_space<hbm>> -> memref<128x128xf32, #tpu.memory_space<hbm>>
        tpu.enqueue_dma source(%arg6 : memref<128x128xf32, #tpu.memory_space<vmem>>) target(%dma_start3A_274 : memref<128x128xf32, #tpu.memory_space<hbm>>) target_semaphore(%arg14 : memref<!tpu.dma_semaphore, #tpu.memory_space<semaphore_mem>>)
      } else {
      }
      %mul3A_200 = arith.constant 4 : i32
      %mul3A_201 = arith.muli %mul3A_200, %scan3A_17 : i32
      %add3A_202 = arith.constant 3 : i32
      %add3A_203 = arith.addi %mul3A_201, %add3A_202 : i32
      %sub3A_204 = arith.constant 4 : i32
      %sub3A_205 = arith.subi %add3A_203, %sub3A_204 : i32
      %ge3A_206 = arith.constant 0 : i32
      %ge3A_207 = arith.cmpi sge, %sub3A_205, %ge3A_206 : i32
      %lt3A_208 = arith.constant 25 : i32
      %lt3A_209 = arith.cmpi slt, %sub3A_205, %lt3A_208 : i32
      %and3A_210 = arith.andi %ge3A_207, %lt3A_209 : i1
      %mul3A_211 = arith.constant 25 : i32
      %mul3A_212 = arith.muli %add3A, %mul3A_211 : i32
      %add3A_213 = arith.addi %mul3A_212, %sub3A_205 : i32
      %mul3A_214 = arith.constant 128 : i32
      %mul3A_215 = arith.muli %add3A_213, %mul3A_214 : i32
      %add3A_216 = arith.constant 128 : i32
      %add3A_217 = arith.addi %mul3A_215, %add3A_216 : i32
      %le3A_218 = arith.constant 100000 : i32
      %le3A_219 = arith.cmpi sle, %add3A_217, %le3A_218 : i32
      %and3A_220 = arith.andi %and3A_210, %le3A_219 : i1
      %convert_element_type3A_221 = arith.extui %and3A_220 : i1 to i32
      %cond3A_222 = arith.constant 0 : i32
      %cond3A_223 = arith.cmpi ne, %convert_element_type3A_221, %cond3A_222 : i32
      scf.if %cond3A_223 {
        %sub3A_262 = arith.constant 4 : i32
        %sub3A_263 = arith.subi %add3A_203, %sub3A_262 : i32
        %mul3A_264 = arith.constant 25 : i32
        %mul3A_265 = arith.muli %add3A, %mul3A_264 : i32
        %add3A_266 = arith.addi %mul3A_265, %sub3A_263 : i32
        %mul3A_267 = arith.constant 128 : i32
        %mul3A_268 = arith.muli %add3A_266, %mul3A_267 : i32
        %dma_wait3A = arith.constant 0 : i32
        %dma_wait3A_269 = tpu.memref_slice %arg4[%mul3A_268, %dma_wait3A] : memref<100000x128xf32, #tpu.memory_space<hbm>> -> memref<128x128xf32, #tpu.memory_space<hbm>>
        %dma_wait3A_270 = arith.constant 0 : i32
        %dma_wait3A_271 = tpu.memref_slice %arg4[%mul3A_268, %dma_wait3A_270] : memref<100000x128xf32, #tpu.memory_space<hbm>> -> memref<128x128xf32, #tpu.memory_space<hbm>>
        tpu.wait_dma2 semaphore(%arg17 : memref<!tpu.dma_semaphore, #tpu.memory_space<semaphore_mem>>) src(%arg9 : memref<128x128xf32, #tpu.memory_space<vmem>>) dst(%dma_wait3A_271 : memref<128x128xf32, #tpu.memory_space<hbm>>)
      } else {
      }
      %ge3A_224 = arith.constant 0 : i32
      %ge3A_225 = arith.cmpi sge, %add3A_203, %ge3A_224 : i32
      %lt3A_226 = arith.constant 25 : i32
      %lt3A_227 = arith.cmpi slt, %add3A_203, %lt3A_226 : i32
      %and3A_228 = arith.andi %ge3A_225, %lt3A_227 : i1
      %mul3A_229 = arith.constant 25 : i32
      %mul3A_230 = arith.muli %add3A, %mul3A_229 : i32
      %add3A_231 = arith.addi %mul3A_230, %add3A_203 : i32
      %mul3A_232 = arith.constant 128 : i32
      %mul3A_233 = arith.muli %add3A_231, %mul3A_232 : i32
      %add3A_234 = arith.constant 128 : i32
      %add3A_235 = arith.addi %mul3A_233, %add3A_234 : i32
      %le3A_236 = arith.constant 100000 : i32
      %le3A_237 = arith.cmpi sle, %add3A_235, %le3A_236 : i32
      %and3A_238 = arith.andi %and3A_228, %le3A_237 : i1
      %convert_element_type3A_239 = arith.extui %and3A_238 : i1 to i32
      %cond3A_240 = arith.constant 0 : i32
      %cond3A_241 = arith.cmpi ne, %convert_element_type3A_239, %cond3A_240 : i32
      scf.if %cond3A_241 {
        %mul3A_262 = arith.constant 128 : i32
        %mul3A_263 = arith.muli %add3A_203, %mul3A_262 : i32
        %dma_start3A = tpu.memref_slice %arg5[%mul3A_263] : memref<3200xi32, #tpu.memory_space<vmem>> -> memref<128xi32, #tpu.memory_space<vmem>>
        %dma_start3A_264 = arith.constant 0 : i32
        %dma_start3A_265 = arith.constant 0 : i32
        %dma_start3A_266 = tpu.memref_slice %arg3[%dma_start3A_264, %dma_start3A_265] : memref<100000x128xf32, #tpu.memory_space<hbm>> -> memref<100000x128xf32, #tpu.memory_space<hbm>>
        tpu.enqueue_indirect_dma source(%dma_start3A_266 : memref<100000x128xf32, #tpu.memory_space<hbm>>) target(%arg9 : memref<128x128xf32, #tpu.memory_space<vmem>>) offsets(%dma_start3A : memref<128xi32, #tpu.memory_space<vmem>>) semaphore(%arg13 : memref<!tpu.dma_semaphore, #tpu.memory_space<semaphore_mem>>)
      } else {
      }
      %sub3A_242 = arith.constant 2 : i32
      %sub3A_243 = arith.subi %add3A_203, %sub3A_242 : i32
      %ge3A_244 = arith.constant 0 : i32
      %ge3A_245 = arith.cmpi sge, %sub3A_243, %ge3A_244 : i32
      %lt3A_246 = arith.constant 25 : i32
      %lt3A_247 = arith.cmpi slt, %sub3A_243, %lt3A_246 : i32
      %and3A_248 = arith.andi %ge3A_245, %lt3A_247 : i1
      %mul3A_249 = arith.constant 25 : i32
      %mul3A_250 = arith.muli %add3A, %mul3A_249 : i32
      %add3A_251 = arith.addi %mul3A_250, %sub3A_243 : i32
      %mul3A_252 = arith.constant 128 : i32
      %mul3A_253 = arith.muli %add3A_251, %mul3A_252 : i32
      %add3A_254 = arith.constant 128 : i32
      %add3A_255 = arith.addi %mul3A_253, %add3A_254 : i32
      %le3A_256 = arith.constant 100000 : i32
      %le3A_257 = arith.cmpi sle, %add3A_255, %le3A_256 : i32
      %and3A_258 = arith.andi %and3A_248, %le3A_257 : i1
      %convert_element_type3A_259 = arith.extui %and3A_258 : i1 to i32
      %cond3A_260 = arith.constant 0 : i32
      %cond3A_261 = arith.cmpi ne, %convert_element_type3A_259, %cond3A_260 : i32
      scf.if %cond3A_261 {
        %mul3A_262 = arith.constant 128 : i32
        %mul3A_263 = arith.muli %sub3A_243, %mul3A_262 : i32
        %dma_wait3A = tpu.memref_slice %arg5[%mul3A_263] : memref<3200xi32, #tpu.memory_space<vmem>> -> memref<128xi32, #tpu.memory_space<vmem>>
        %dma_wait3A_264 = arith.constant 0 : i32
        %dma_wait3A_265 = arith.constant 0 : i32
        %dma_wait3A_266 = tpu.memref_slice %arg3[%dma_wait3A_264, %dma_wait3A_265] : memref<100000x128xf32, #tpu.memory_space<hbm>> -> memref<100000x128xf32, #tpu.memory_space<hbm>>
        tpu.wait_indirect_dma semaphore(%arg11 : memref<!tpu.dma_semaphore, #tpu.memory_space<semaphore_mem>>) src(%dma_wait3A_266 : memref<100000x128xf32, #tpu.memory_space<hbm>>) dst(%arg7 : memref<128x128xf32, #tpu.memory_space<vmem>>)
        %mul3A_267 = arith.constant 25 : i32
        %mul3A_268 = arith.muli %add3A, %mul3A_267 : i32
        %add3A_269 = arith.addi %mul3A_268, %sub3A_243 : i32
        %mul3A_270 = arith.constant 128 : i32
        %mul3A_271 = arith.muli %add3A_269, %mul3A_270 : i32
        %dma_start3A = arith.constant 0 : i32
        %dma_start3A_272 = tpu.memref_slice %arg4[%mul3A_271, %dma_start3A] : memref<100000x128xf32, #tpu.memory_space<hbm>> -> memref<128x128xf32, #tpu.memory_space<hbm>>
        %dma_start3A_273 = arith.constant 0 : i32
        %dma_start3A_274 = tpu.memref_slice %arg4[%mul3A_271, %dma_start3A_273] : memref<100000x128xf32, #tpu.memory_space<hbm>> -> memref<128x128xf32, #tpu.memory_space<hbm>>
        tpu.enqueue_dma source(%arg7 : memref<128x128xf32, #tpu.memory_space<vmem>>) target(%dma_start3A_274 : memref<128x128xf32, #tpu.memory_space<hbm>>) target_semaphore(%arg15 : memref<!tpu.dma_semaphore, #tpu.memory_space<semaphore_mem>>)
      } else {
      }
    }
    %scan3A_11 = arith.constant 8 : i32
    %eq3A_12 = arith.constant 31 : i32
    %eq3A_13 = arith.cmpi eq, %add3A, %eq3A_12 : i32
    %convert_element_type3A_14 = arith.extui %eq3A_13 : i1 to i32
    %cond3A_15 = arith.constant 0 : i32
    %cond3A_16 = arith.cmpi ne, %convert_element_type3A_14, %cond3A_15 : i32
    scf.if %cond3A_16 {
      %dma_start3A = arith.constant 0 : i32
      %dma_start3A_17 = arith.constant 0 : i32
      %dma_start3A_18 = tpu.memref_slice %arg6[%dma_start3A, %dma_start3A_17] : memref<128x128xf32, #tpu.memory_space<vmem>> -> memref<32x128xf32, #tpu.memory_space<vmem>>
      %dma_start3A_19 = arith.constant 768 : i32
      %dma_start3A_20 = tpu.memref_slice %arg5[%dma_start3A_19] : memref<3200xi32, #tpu.memory_space<vmem>> -> memref<32xi32, #tpu.memory_space<vmem>>
      %dma_start3A_21 = arith.constant 0 : i32
      %dma_start3A_22 = arith.constant 0 : i32
      %dma_start3A_23 = tpu.memref_slice %arg3[%dma_start3A_21, %dma_start3A_22] : memref<100000x128xf32, #tpu.memory_space<hbm>> -> memref<100000x128xf32, #tpu.memory_space<hbm>>
      tpu.enqueue_indirect_dma source(%dma_start3A_23 : memref<100000x128xf32, #tpu.memory_space<hbm>>) target(%dma_start3A_18 : memref<32x128xf32, #tpu.memory_space<vmem>>) offsets(%dma_start3A_20 : memref<32xi32, #tpu.memory_space<vmem>>) semaphore(%arg10 : memref<!tpu.dma_semaphore, #tpu.memory_space<semaphore_mem>>)
      %dma_wait3A = arith.constant 0 : i32
      %dma_wait3A_24 = arith.constant 0 : i32
      %dma_wait3A_25 = tpu.memref_slice %arg6[%dma_wait3A, %dma_wait3A_24] : memref<128x128xf32, #tpu.memory_space<vmem>> -> memref<32x128xf32, #tpu.memory_space<vmem>>
      %dma_wait3A_26 = arith.constant 768 : i32
      %dma_wait3A_27 = tpu.memref_slice %arg5[%dma_wait3A_26] : memref<3200xi32, #tpu.memory_space<vmem>> -> memref<32xi32, #tpu.memory_space<vmem>>
      %dma_wait3A_28 = arith.constant 0 : i32
      %dma_wait3A_29 = arith.constant 0 : i32
      %dma_wait3A_30 = tpu.memref_slice %arg3[%dma_wait3A_28, %dma_wait3A_29] : memref<100000x128xf32, #tpu.memory_space<hbm>> -> memref<100000x128xf32, #tpu.memory_space<hbm>>
      tpu.wait_indirect_dma semaphore(%arg10 : memref<!tpu.dma_semaphore, #tpu.memory_space<semaphore_mem>>) src(%dma_wait3A_30 : memref<100000x128xf32, #tpu.memory_space<hbm>>) dst(%dma_wait3A_25 : memref<32x128xf32, #tpu.memory_space<vmem>>)
      "tpu.region"() ({
        %run_scoped3A = tpu.sem_alloc : memref<!tpu.dma_semaphore, #tpu.memory_space<semaphore_mem>>
        %dma_start3A_31 = arith.constant 0 : i32
        %dma_start3A_32 = arith.constant 0 : i32
        %dma_start3A_33 = tpu.memref_slice %arg6[%dma_start3A_31, %dma_start3A_32] : memref<128x128xf32, #tpu.memory_space<vmem>> -> memref<32x128xf32, #tpu.memory_space<vmem>>
        %dma_start3A_34 = arith.constant 99968 : i32
        %dma_start3A_35 = arith.constant 0 : i32
        %dma_start3A_36 = tpu.memref_slice %arg4[%dma_start3A_34, %dma_start3A_35] : memref<100000x128xf32, #tpu.memory_space<hbm>> -> memref<32x128xf32, #tpu.memory_space<hbm>>
        %dma_start3A_37 = arith.constant 99968 : i32
        %dma_start3A_38 = arith.constant 0 : i32
        %dma_start3A_39 = tpu.memref_slice %arg4[%dma_start3A_37, %dma_start3A_38] : memref<100000x128xf32, #tpu.memory_space<hbm>> -> memref<32x128xf32, #tpu.memory_space<hbm>>
        %dma_start3A_40 = arith.constant 0 : i32
        %dma_start3A_41 = arith.constant 0 : i32
        %dma_start3A_42 = tpu.memref_slice %arg6[%dma_start3A_40, %dma_start3A_41] : memref<128x128xf32, #tpu.memory_space<vmem>> -> memref<32x128xf32, #tpu.memory_space<vmem>>
        tpu.enqueue_dma source(%dma_start3A_42 : memref<32x128xf32, #tpu.memory_space<vmem>>) target(%dma_start3A_39 : memref<32x128xf32, #tpu.memory_space<hbm>>) target_semaphore(%run_scoped3A : memref<!tpu.dma_semaphore, #tpu.memory_space<semaphore_mem>>)
        %dma_wait3A_43 = arith.constant 0 : i32
        %dma_wait3A_44 = arith.constant 0 : i32
        %dma_wait3A_45 = tpu.memref_slice %arg6[%dma_wait3A_43, %dma_wait3A_44] : memref<128x128xf32, #tpu.memory_space<vmem>> -> memref<32x128xf32, #tpu.memory_space<vmem>>
        %dma_wait3A_46 = arith.constant 99968 : i32
        %dma_wait3A_47 = arith.constant 0 : i32
        %dma_wait3A_48 = tpu.memref_slice %arg4[%dma_wait3A_46, %dma_wait3A_47] : memref<100000x128xf32, #tpu.memory_space<hbm>> -> memref<32x128xf32, #tpu.memory_space<hbm>>
        %dma_wait3A_49 = arith.constant 99968 : i32
        %dma_wait3A_50 = arith.constant 0 : i32
        %dma_wait3A_51 = tpu.memref_slice %arg4[%dma_wait3A_49, %dma_wait3A_50] : memref<100000x128xf32, #tpu.memory_space<hbm>> -> memref<32x128xf32, #tpu.memory_space<hbm>>
        %dma_wait3A_52 = arith.constant 0 : i32
        %dma_wait3A_53 = arith.constant 0 : i32
        %dma_wait3A_54 = tpu.memref_slice %arg6[%dma_wait3A_52, %dma_wait3A_53] : memref<128x128xf32, #tpu.memory_space<vmem>> -> memref<32x128xf32, #tpu.memory_space<vmem>>
        tpu.wait_dma2 semaphore(%run_scoped3A : memref<!tpu.dma_semaphore, #tpu.memory_space<semaphore_mem>>) src(%dma_wait3A_54 : memref<32x128xf32, #tpu.memory_space<vmem>>) dst(%dma_wait3A_51 : memref<32x128xf32, #tpu.memory_space<hbm>>)
        tpu.yield
      }) : () -> ()
    } else {
    }
    return
  }
}

</mosaic_0001>

<sc_bundles>
// kernel: kernel.3.cloned.1.call-start
scs
__scs_entry_jumppad:
0x0: {  	(pc) =	sbr.rel $0x88, $3  }
0x1: {  	(tag) =	ssettag $0x0;
	lr =	simm.s32 $0x1  }
0x2: {  	[smem:$0x3F9F] =	sst lr;
	_ =	strace $0xD0000000  }
0x3: {  	_ = 	snop  }
0x4: {  	_ = 	snop  }
0x5: {  	_ = 	snop  }
0x6: {  	_ = 	snop  }
0x7: {  	_ = 	snop  }
__scs_overlays_trampoline_lowered:
0x8: {  	[smem:$0x3FAE] =	sst s0  }
0x9: {  	[smem:$0x3FAF] =	sst s1  }
0xa: {  	[smem:$0x3FB0] =	sst s2  }
0xb: {  	[smem:$0x3FB1] =	sst s3  }
0xc: {  	[smem:$0x3FB2] =	sst s4  }
0xd: {  	[smem:$0x3FB3] =	sst s5  }
0xe: {  	[smem:$0x3FB4] =	sst s6  }
0xf: {  	[smem:$0x3FB5] =	sst s7  }
0x10: {  	[smem:$0x3FB6] =	sst s8  }
0x11: {  	[smem:$0x3FB7] =	sst s9;
	s0 =	simm.s32 @!p0 $0x0  }
0x12: {  	s1 =	sld [smem:$0x3F9D];
	s0 =	simm.s32 @p0 $0x1  }
0x13: {  	[smem:$0x3FB8] =	sst s0;
	s0 =	simm.s32 @!p1 $0x0  }
0x14: {  	s2 =	sld [smem:$0x3F9C];
	s0 =	simm.s32 @p1 $0x1  }
0x15: {  	[smem:$0x3FB9] =	sst s0;
	s0 =	simm.s32 @!p2 $0x0  }
0x16: {  	s3 =	sld [smem:$0x3FDB];
	s0 =	simm.s32 @p2 $0x1  }
0x17: {  	s4 =	simm.s32 $0x1BF5;
	[smem:$0x3FBB] =	sst s0  }
0x18: {  	s0 =	sld [smem:$0x3F9E];
	_ =	swait.ge [sflag:s4], $0x0  }
0x19: {  	s7 =	sld [smem:$0x3F9F]  }
0x1a: {  	s8 =	sadd.s32 $0xFFFFE003, lr  }
0x1b: {  	s9 =	sadd.s32 $0xFFFFFEF7, lr;
	s5 =	simm.s32 $0xFFFFFFFF;
	p2 =	slt.u32 s8, $0xFFFFF086  }
0x1c: {  	p1 =	slt.u32 s9, $0xF7A;
	s5 =	simm.s32 @!p2 $0x0  }
0x1d: {  	s5 =	simm.s32 @p1 $0x1;
	p0 =	seq.s32 s7, s2  }
0x1e: {  	s7 =	smul.u32 @!p0 $0xF7A, s2;
	p2 =	seq.s32 @!p0 s5, $0x0  }
0x1f: {  	s9 =	smul.u32 $0xF7A, s1;
	s8 =	simm.s32 @!p0 $0x1BF5;
	p2 =	por !p2, p0  }
0x20: {  	[sflag:s8] =	ssyncset.s32 @!p0 $0xFFFFF086;
	s6 =	sadd.s32 @!p0 s3, s7;
	s7 =	simm.s32 @!p0 $0x108  }
0x21: {  	s3 =	sadd.s32 s3, s9;
	s6 =	sadd.s32 @!p0 $0x88, s6;
	s7 =	simm.s32 @p2 $0x1082  }
0x22: {  	[simem:s7], [sflag:s8] =	dma.local @!p0 [hbm:s6], $0xF7A  }
0x23: {  	s9 =	sor.u32 $0xD0000000, s2;
	s6 =	simm.s32 $0x108;
	_ =	swait.ge @!p0 [sflag:s8], $0x0  }
0x24: {  	s3 =	sadd.s32 $0x88, s3;
	s6 =	simm.s32 @!p1 $0x1082;
	[sflag:s4] =	ssyncset.s32 $0xFFFFF086  }
0x25: {  	[simem:s6], [sflag:s4] =	dma.local [hbm:s3], $0xF7A  }
0x26: {  	[smem:$0x3F9F] =	sst s1;
	(tag) =	ssettag s2;
	_ =	strace s9  }
0x27: {  	s1 =	sld [smem:$0x3FAF]  }
0x28: {  	s2 =	sld [smem:$0x3FB0]  }
0x29: {  	s4 =	sld [smem:$0x3FB2]  }
0x2a: {  	p0 =	seq.s32 s5, $0x0;
	s5 =	sld [smem:$0x3FB3]  }
0x2b: {  	s6 =	sld [smem:$0x3FB4]  }
0x2c: {  	s7 =	sld [smem:$0x3FB5]  }
0x2d: {  	s3 =	simm.s32 $0x108;
	s8 =	sld [smem:$0x3FB6]  }
0x2e: {  	s3 =	simm.s32 @!p0 $0x1082;
	s9 =	sld [smem:$0x3FB7]  }
0x2f: {  	lr =	sadd.s32 s0, s3;
	s0 =	sld [smem:$0x3FAE]  }
0x30: {  	s3 =	sld [smem:$0x3FB1]  }
0x31: {  	[smem:$0x3FBA] =	sst s10  }
0x32: {  	s10 =	sld [smem:$0x3FB8];
	_ =	sdelay $0x3  }
0x33: {  	p0 =	seq.s32 s10, $0x1;
	s10 =	sld [smem:$0x3FBA];
	_ =	sdelay $0x3  }
0x34: {  	[smem:$0x3FBA] =	sst s10  }
0x35: {  	s10 =	sld [smem:$0x3FB9];
	_ =	sdelay $0x3  }
0x36: {  	p1 =	seq.s32 s10, $0x1;
	s10 =	sld [smem:$0x3FBA];
	_ =	sdelay $0x3  }
0x37: {  	[smem:$0x3FBA] =	sst s10  }
0x38: {  	s10 =	sld [smem:$0x3FBB]  }
0x39: {  	_ = 	snop;
	(pc) =	sbr.ind lr, $3  }
0x3a: {  	_ = 	snop  }
0x3b: {  	_ = 	snop  }
0x3c: {  	p2 =	seq.s32 s10, $0x1;
	s10 =	sld [smem:$0x3FBA]  }
0x3d: {  	_ =	shalt  }
0x3e: {  	_ =	shalt  }
0x3f: {  	_ =	shalt  }
0x40: {  	_ =	shalt  }
0x41: {  	_ =	shalt  }
0x42: {  	_ =	shalt  }
0x43: {  	_ =	shalt  }
0x44: {  	_ =	shalt  }
0x45: {  	_ =	shalt  }
0x46: {  	_ =	shalt  }
0x47: {  	_ =	shalt  }
0x48: {  	_ =	shalt  }
0x49: {  	_ =	shalt  }
0x4a: {  	_ =	shalt  }
0x4b: {  	_ =	shalt  }
0x4c: {  	_ =	shalt  }
0x4d: {  	_ =	shalt  }
0x4e: {  	_ =	shalt  }
0x4f: {  	_ =	shalt  }
0x50: {  	_ =	shalt  }
0x51: {  	_ =	shalt  }
0x52: {  	_ =	shalt  }
0x53: {  	_ =	shalt  }
0x54: {  	_ =	shalt  }
0x55: {  	_ =	shalt  }
0x56: {  	_ =	shalt  }
0x57: {  	_ =	shalt  }
0x58: {  	_ =	shalt  }
0x59: {  	_ =	shalt  }
0x5a: {  	_ =	shalt  }
0x5b: {  	_ =	shalt  }
0x5c: {  	_ =	shalt  }
0x5d: {  	_ =	shalt  }
0x5e: {  	_ =	shalt  }
0x5f: {  	_ =	shalt  }
0x60: {  	_ =	shalt  }
0x61: {  	_ =	shalt  }
0x62: {  	_ =	shalt  }
0x63: {  	_ =	shalt  }
0x64: {  	_ =	shalt  }
0x65: {  	_ =	shalt  }
0x66: {  	_ =	shalt  }
0x67: {  	_ =	shalt  }
0x68: {  	_ =	shalt  }
0x69: {  	_ =	shalt  }
0x6a: {  	_ =	shalt  }
0x6b: {  	_ =	shalt  }
0x6c: {  	_ =	shalt  }
0x6d: {  	_ =	shalt  }
0x6e: {  	_ =	shalt  }
0x6f: {  	_ =	shalt  }
0x70: {  	_ =	shalt  }
0x71: {  	_ =	shalt  }
0x72: {  	_ =	shalt  }
0x73: {  	_ =	shalt  }
0x74: {  	_ =	shalt  }
0x75: {  	_ =	shalt  }
0x76: {  	_ =	shalt  }
0x77: {  	_ =	shalt  }
0x78: {  	_ =	shalt  }
0x79: {  	_ =	shalt  }
0x7a: {  	_ =	shalt  }
0x7b: {  	_ =	shalt  }
0x7c: {  	_ =	shalt  }
0x7d: {  	_ =	shalt  }
0x7e: {  	_ =	shalt  }
0x7f: {  	_ =	shalt  }
0x80: {  	_ =	shalt  }
0x81: {  	_ =	shalt  }
0x82: {  	_ =	shalt  }
0x83: {  	_ =	shalt  }
0x84: {  	_ =	shalt  }
0x85: {  	_ =	shalt  }
0x86: {  	_ =	shalt  }
0x87: {  	_ =	shalt  }
.Lfunc_end0:
.L_simem_size_0:
called_computation_lowered:
.L_overlay_start_0:
0x88: {  	s2 =	sld [smem:$0x3FD9]  }
0x89: {  	s3 =	sld [smem:$0x3FFE];
	_ =	sdelay $0x1  }
0x8a: {  	s1 =	srdreg.scid  }
0x8b: {  	s0 =	sand.u32 $0x1, s1  }
0x8c: {  	s18 =	sshll.u32 s0, $0xA;
	s2 =	sadd.s32 s3, s2  }
0x8d: {  	s2 =	sadd.s32 s2, s18  }
0x8e: {  	[smem:$0x3FC6] =	sst s2  }
0x8f: {  	_ = 	snop  }
0x90: {  	s2 =	sld [smem:$0x3FC9]  }
0x91: {  	s19 =	sld [smem:$0x3FC8]  }
0x92: {  	s4 =	sld [smem:$0x3FD0];
	(tm) =	ssettm $0x1  }
0x93: {  	s5 =	sld [smem:$0x3FFB];
	_ =	sdelay $0x3  }
0x94: {  	_ =	strace s5  }
0x95: {  	s5 =	sld [smem:$0x3FFC];
	_ =	sdelay $0x3  }
0x96: {  	_ =	strace s5  }
0x97: {  	s5 =	sld [smem:$0x3FFD];
	_ =	sdelay $0x3  }
0x98: {  	_ =	strace s5  }
0x99: {  	_ =	strace $0x8FFFFFFF  }
0x9a: {  	s20 =	sld [smem:$0x3FDB];
	_ =	sdelay $0x1  }
0x9b: {  	s6 =	simm.s32 $_scs_section_size  }
0x9c: {  	s7 =	simm.s32 $_size__tile_overlayer_lowered;
	s8 =	simm.s32 $_tile_overlayer_lowered  }
0x9d: {  	s23 =	simm.s32 $0x1BFF;
	s22 =	sshll.u32 s8, $0x1;
	s5 =	sadd.s32 s6, s20  }
0x9e: {  	s9 =	simm.s32 $0x0;
	s21 =	sshll.u32 s7, $0x1;
	s7 =	sadd.s32 s22, s5  }
0x9f: {  	[timem:s9], [sflag:s23] =	dma.local [hbm:s7], s21  }
0xa0: {  	_ =	swait.ge [sflag:s23], s21  }
0xa1: {  	s6 =	ssub.s32 $0x0, s21;
	[sflag:s23] =	ssyncset.done $0x0  }
0xa2: {  	[sflag:s23] =	ssyncadd.s32 s6;
	_ =	sdelay $0x1  }
0xa3: {  	s24 =	simm.s32 $0x1B8B  }
0xa4: {  	_ =	swait.ge [sflag:s24], $0x1  }
0xa5: {  	[sflag:s24] =	ssyncset.done $0x0  }
0xa6: {  	s25 =	simm.s32 $0x1B8E;
	[sflag:s24] =	ssyncadd.s32 $0xFFFFFFFF  }
0xa7: {  	s26 =	simm.s32 $execute0_lowered;
	[smem:$0x3FD2] =	sst s25  }
0xa8: {  	s6 =	sshll.u32 s26, $0x1;
	_ =	strace $0x80000046;
	[dreg:$0x1] =	wrdreg $0xFFFFFFFF  }
0xa9: {  	s28 =	simm.s32 $_size_execute0_lowered;
	s5 =	sadd.s32 s5, s6;
	[dreg:$0x0] =	wrdreg $0x0  }
0xaa: {  	s6 =	sshll.u32 s28, $0x1;
	[dreg:$0x2] =	wrdreg s5  }
0xab: {  	[dreg:$0x3] =	wrdreg s6  }
0xac: {  	[dreg:$0x4] =	wrdreg $0xC0  }
0xad: {  	_ =	task [dreg:s9], $0x5FFFF  }
0xae: {  	[dreg:$0x1] =	wrdreg $0xFFFFFFFF  }
0xaf: {  	[dreg:$0x0] =	wrdreg $0x60  }
0xb0: {  	[dreg:$0x2] =	wrdreg s2  }
0xb1: {  	[dreg:$0x3] =	wrdreg s19  }
0xb2: {  	[dreg:$0x4] =	wrdreg s4  }
0xb3: {  	[dreg:$0x5] =	wrdreg $0x9  }
0xb4: {  	_ =	task.clear_ibuf [dreg:s9], $0x6FFFF;
	_ =	strace $0x90000046  }
0xb5: {  	s29 =	simm.s32 $0x9;
	_ =	strace $0x80000048  }
0xb6: {  	_ =	swait.ge [sflag:s29], $0x1  }
0xb7: {  	[sflag:s29] =	ssyncadd.s32 $0xFFFFFFFF  }
0xb8: {  	_ =	strace $0x90000048  }
0xb9: {  	_ =	sfence  }
0xba: {  	s30 =	sld [smem:$0x0];
	_ =	sdelay $0x2  }
0xbb: {  	s31 =	sshll.u32 s1, $0xD;
	s1 =	sshrl.u32 s1, $0x2  }
0xbc: {  	s3 =	sand.u32 $0x4000, s31;
	s1 =	sadd.s32 s1, s30  }
0xbd: {  	s0 =	sor.u32 s3, s0;
	s1 =	sshll.u32 s1, $0x11  }
0xbe: {  	s0 =	sor.u32 s1, s0  }
0xbf: {  	s0 =	sadd.s32 $0x8F2B, s0  }
0xc0: {  	[sflag:s0] =	ssyncadd.remote.s32 $0x1  }
0xc1: {  	_ =	sfence.sel $0xFFFF  }
0xc2: {  	[dreg:$0x0] =	wrdreg $0xFFFFFFFF;
	(pc) =	sbr.abs _section_cstart, $3  }
0xc3: {  	[dreg:$0x1] =	wrdreg $0xFFFFFFFF  }
0xc4: {  	_ =	task.clear_ibuf [dreg:s9], $0x2FFFF;
	_ =	strace $0x9FFFFFFF  }
0xc5: {  	(tm) =	ssettm $0x7FFFFFFF  }
tec
execute0_lowered:
.L_overlay_start_1:
0x0: {  	(tag) =	ssettag $0x1  }
0x1: {  	s1 =	srdreg.scid;
	s0 =	stileid.u32  }
0x2: {  	s7 =	rddreg [dreg:$0x0];
	s8 =	smul.u32 $0x32, s0  }
0x3: {  	s2 =	rddreg [dreg:$0x1];
	s5 =	smul.u32 $0x19000, s0  }
0x4: {  	s3 =	rddreg [dreg:$0x2];
	s10 =	sand.u32 $0x1, s1;
	s31 =	smul.u32 $0x1900, s0  }
0x5: {  	s4 =	simm.s32 $0x0;
	s1 =	rddreg [dreg:$0x3];
	s11 =	smul.u32 $0x19, s10  }
0x6: {  	s30 =	sshll.u32 s0, $0x1;
	[smem:$0x7FF] =	sst s4;
	s14 =	smul.u32 $0xC80, s10  }
0x7: {  	s13 =	sor.u32 s10, s30;
	s9 =	ssub.s32 $0x2, s10;
	s10 =	smul.u32 $0xC800, s10  }
0x8: {  	_ =	strace $0x80000047;
	s6 =	smul.u32 $0x190, s13;
	s12 =	sshrl.u32 s9, $0x1  }
0x9: {  	p0 =	seq.s32 s13, $0x1F;
	s9 =	ssub.s32 s9, s12;
	s11 =	sadd.s32 s11, s8  }
0xa: {  	s8 =	sadd.s32 $0x186800, s3;
	s12 =	sadd.s32 s14, s31;
	s14 =	simm.s32 @!p0 $0x0  }
0xb: {  	s6 =	sadd.s32 s7, s6;
	s14 =	simm.s32 @p0 $0x1;
	p0 =	sne.s32 s13, $0x1F  }
0xc: {  	s7 =	sadd.s32 $0x3070, s7;
	[dreg:$0x4] =	wrdreg s11;
	s13 =	simm.s32 @!p0 $0x0  }
0xd: {  	s9 =	smax.u32 s9, $0x1;
	[smem:$0x7FC] =	sst s14;
	s13 =	simm.s32 @p0 $0x1  }
0xe: {  	s11 =	sadd.s32 s5, s3;
	[smem:$0x7FD] =	sst s13;
	s13 =	simm.s32 $0x0  }
.LBB2_1:
0xf: {  	s14 =	sld [smem:$0x7FC];
	_ =	sdelay $0x2  }
0x10: {  	p2 =	seq.s32 s14, $0x1  }
0x11: {  	s14 =	simm.s32 @p2 $0x0  }
0x12: {  	[tilespmem:s14], [sflag:$0x9] =	stream.linear.gather @p2 [hbm4b:s7+s14], $0x320, $0x38;
	[tilespmem:$0x10C80] =	vst v63  }
0x13: {  	s14 =	simm.s32 @p2 $0x9  }
0x14: {  	p0 =	por $0x1, $0x1;
	s15 =	sadd.s32 $0xFFFFFE00, s12;
	_ =	swait.ge @p2 [sflag:s14], $0x320  }
0x15: {  	s16 =	sadd.s32 $0xFFFFFF80, s12;
	s17 =	sadd.s32 $0xFFFFFE80, s12;
	[sflag:s14] =	ssyncset.done @p2 $0x0  }
0x16: {  	p6 =	por $0x0, $0x0;
	[sflag:s14] =	ssyncadd.s32 @p2 $0xFFFFFCE0;
	s14 =	simm.s32 @!p2 $0x0  }
0x17: {  	[tilespmem:s14], [sflag:$0x9] =	stream.linear.gather @!p2 [hbm4b:s6+s14], $0xC80, $0x38;
	[tilespmem:$0x10C80] =	vst v63  }
0x18: {  	s30 =	sadd.s32 $0xFFFFFF00, s12;
	p1 =	sgt.s32 @!p0 s15, $0x18620;
	s14 =	simm.s32 @!p2 $0x9  }
0x19: {  	p5 =	slt.s32 s16, $0x18621;
	p0 =	por p1, p0;
	_ =	swait.ge @!p2 [sflag:s14], $0xC80  }
0x1a: {  	p3 =	por !p6, !p5;
	p1 =	slt.s32 s30, $0x18621;
	[sflag:s14] =	ssyncset.done @!p2 $0x0  }
0x1b: {  	p6 =	por $0x0, $0x0;
	[sflag:s14] =	ssyncadd.s32 @!p2 $0xFFFFF380;
	s14 =	simm.s32 @!p0 $0x5  }
0x1c: {  	p4 =	por $0x1, $0x1;
	p1 =	por !p6, !p1;
	_ =	swait.ge @!p0 [sflag:s14], $0x4000  }
0x1d: {  	p3 =	por !p3, !p3;
	s29 =	rddreg [dreg:$0x4];
	[sflag:s14] =	ssyncset.done @!p0 $0x0  }
0x1e: {  	p1 =	por !p1, !p1;
	[sflag:s14] =	ssyncadd.s32 @!p0 $0xFFFFC000;
	s14 =	sadd.s32 $0x3, s29  }
0x1f: {  	s18 =	simm.s32 @p1 $0x3;
	s19 =	sadd.s32 @p1 s5, s10;
	s15 =	sadd.s32 $0xFFFFFFFD, s14  }
0x20: {  	p2 =	por $0x1, $0x1;
	s31 =	sadd.s32 $0xFFFFFFFE, s14;
	p5 =	slt.u32 s15, $0x30D  }
0x21: {  	s20 =	simm.s32 @p1 $0x8C80;
	p0 =	por !p2, !p5;
	p5 =	slt.u32 s31, $0x30D  }
0x22: {  	s19 =	sadd.s32 @p1 $0xFFFFF000, s19;
	p0 =	por !p0, !p0;
	p2 =	por !p4, !p5  }
0x23: {  	p4 =	por $0x1, $0x1;
	s15 =	simm.s32 @p0 $0x80;
	s16 =	simm.s32 @p0 $0xC80  }
0x24: {  	[tilespmem:s16], [sflag:$0x1] =	stream.indirect.gather @p0 [hbm4b:s2+s15], $0x80, s4, s15, $0xb8;
	[tilespmem:$0x10C80] =	vst v63  }
0x25: {  	p5 =	sgt.s32 @!p4 s17, $0x18620;
	s17 =	sand.u32 @p1 $0x1FFFF800, s19;
	_ =	swait.ge @p1 [sflag:s18], $0x4000  }
0x26: {  	s15 =	simm.s32 @p1 $0x0;
	p6 =	por p5, p4;
	[sflag:s18] =	ssyncset.done @p1 $0x0  }
0x27: {  	s17 =	sadd.s32 @p1 s3, s17;
	[sflag:s18] =	ssyncadd.s32 @p1 $0xFFFFC000;
	s18 =	simm.s32 @!p6 $0x6  }
0x28: {  	[hbm4b:s17+s15] =	stream.linear.scatter @p1 [tilespmem:s20], [sflag:$0x7], $0x4000, $0x38;
	[tilespmem:$0x10C80] =	vst v63  }
0x29: {  	s21 =	simm.s32 @p3 $0xCC80;
	p4 =	por !p2, !p2;
	_ =	swait.ge @!p6 [sflag:s18], $0x4000  }
0x2a: {  	s22 =	simm.s32 @p3 $0x0;
	s20 =	simm.s32 @p4 $0x4C80;
	[sflag:s18] =	ssyncset.done @!p6 $0x0  }
0x2b: {  	s15 =	simm.s32 @p4 $0x80;
	s17 =	simm.s32 @p4 $0x80;
	[sflag:s18] =	ssyncadd.s32 @!p6 $0xFFFFC000  }
0x2c: {  	[tilespmem:s20], [sflag:$0x2] =	stream.indirect.gather @p4 [hbm4b:s2+s15], $0x80, s17, s15, $0xb8;
	[tilespmem:$0x10C80] =	vst v63  }
0x2d: {  	s19 =	simm.s32 @p1 $0x7;
	s18 =	simm.s32 @p3 $0x4;
	s17 =	sadd.s32 @p3 s5, s10  }
0x2e: {  	p5 =	por $0x0, $0x0;
	s17 =	sadd.s32 @p3 $0xFFFFF800, s17;
	_ =	swait.ge @p3 [sflag:s18], $0x4000  }
0x2f: {  	s15 =	sadd.s32 $0xFFFFFFFF, s14;
	s17 =	sand.u32 @p3 $0x1FFFF800, s17;
	[sflag:s18] =	ssyncset.done @p3 $0x0  }
0x30: {  	p2 =	sgt.u32 @!p5 s15, $0x30C;
	s17 =	sadd.s32 @p3 s3, s17;
	[sflag:s18] =	ssyncadd.s32 @p3 $0xFFFFC000  }
0x31: {  	[hbm4b:s17+s22] =	stream.linear.scatter @p3 [tilespmem:s21], [sflag:$0x8], $0x4000, $0x38;
	[tilespmem:$0x10C80] =	vst v63  }
0x32: {  	p2 =	por p2, p5;
	_ =	swait.ge @p1 [sflag:s19], $0x4000  }
0x33: {  	s15 =	simm.s32 @!p2 $0x100;
	s18 =	simm.s32 @!p2 $0x80;
	[sflag:s19] =	ssyncset.done @p1 $0x0  }
0x34: {  	s17 =	simm.s32 @!p2 $0x8C80;
	[sflag:s19] =	ssyncadd.s32 @p1 $0xFFFFC000;
	s19 =	simm.s32 @p0 $0x1  }
0x35: {  	[tilespmem:s17], [sflag:$0x3] =	stream.indirect.gather @!p2 [hbm4b:s2+s18], $0x80, s15, s18, $0xb8;
	[tilespmem:$0x10C80] =	vst v63  }
0x36: {  	s22 =	simm.s32 @p4 $0x2;
	_ =	swait.ge @p0 [sflag:s19], $0x4000  }
0x37: {  	p1 =	por $0x0, $0x0;
	s15 =	sadd.s32 @p0 s11, s10;
	[sflag:s19] =	ssyncset.done @p0 $0x0  }
0x38: {  	s17 =	simm.s32 @p0 $0x0;
	s18 =	simm.s32 @p3 $0x8;
	[sflag:s19] =	ssyncadd.s32 @p0 $0xFFFFC000  }
0x39: {  	[hbm4b:s15+s17] =	stream.linear.scatter @p0 [tilespmem:s16], [sflag:$0x5], $0x4000, $0x38;
	[tilespmem:$0x10C80] =	vst v63  }
0x3a: {  	p0 =	sgt.u32 @!p1 s14, $0x30C;
	s14 =	simm.s32 $0x7;
	s15 =	sadd.s32 @p4 s11, s10  }
0x3b: {  	s16 =	sadd.s32 $0x2000, s5;
	s17 =	sadd.s32 $0x2000, s11;
	_ =	swait.ge @p3 [sflag:s18], $0x4000  }
0x3c: {  	p0 =	por p0, p1;
	s21 =	sadd.s32 @p4 $0x800, s15;
	s15 =	sadd.s32 $0x200, s12  }
0x3d: {  	[sflag:s18] =	ssyncset.done @p3 $0x0;
	s23 =	simm.s32 @!p0 $0xCC80;
	s19 =	simm.s32 @!p0 $0x180  }
0x3e: {  	s24 =	simm.s32 @!p0 $0x80;
	[sflag:s18] =	ssyncadd.s32 @p3 $0xFFFFC000;
	s18 =	simm.s32 $0x200  }
.LBB2_2:
0x3f: {  	[tilespmem:s23], [sflag:$0x4] =	stream.indirect.gather @!p0 [hbm4b:s2+s24], $0x80, s19, s24, $0xb8;
	[tilespmem:$0x10C80] =	vst v63  }
0x40: {  	s24 =	smov.u32 s14;
	s14 =	sadd.s32 $0x4, s14  }
0x41: {  	p0 =	sne.s32 s14, $0x23  }
0x42: {  	s23 =	simm.s32 @p4 $0x0;
	_ =	swait.ge @p4 [sflag:s22], $0x4000;
	s26 =	simm.s32 @!p0 $0x0  }
0x43: {  	s25 =	sadd.s32 $0xFFFFFFF9, s24;
	[sflag:s22] =	ssyncset.done @p4 $0x0;
	s26 =	simm.s32 @p0 $0x1  }
0x44: {  	p0 =	sgt.u32 s25, $0x18;
	s25 =	sadd.s32 $0xFFFFFE00, s15;
	[sflag:s22] =	ssyncadd.s32 @p4 $0xFFFFC000  }
0x45: {  	[hbm4b:s21+s23] =	stream.linear.scatter @p4 [tilespmem:s20], [sflag:$0x6], $0x4000, $0x38;
	[tilespmem:$0x10C80] =	vst v63  }
0x46: {  	p1 =	sgt.s32 @!p0 s25, $0x18620  }
0x47: {  	p0 =	por p1, p0;
	p1 =	sgt.u32 s24, $0x18  }
0x48: {  	s30 =	sadd.s32 $0xFFFFFF80, s15;
	s20 =	simm.s32 @!p1 $0x0  }
0x49: {  	s28 =	sadd.s32 $0xFFFFFFFC, s24;
	[smem:$0x7FB] =	sst s26;
	s20 =	simm.s32 @p1 $0x1  }
0x4a: {  	p5 =	slt.s32 s30, $0x18621;
	[smem:$0x7FA] =	sst s20;
	s20 =	simm.s32 @!p0 $0x5  }
0x4b: {  	s29 =	sadd.s32 $0xFFFFFFFE, s24;
	s30 =	sadd.s32 $0xFFFFFFFB, s24;
	_ =	swait.ge @!p0 [sflag:s20], $0x4000  }
0x4c: {  	p6 =	slt.u32 s28, $0x19;
	s28 =	sadd.s32 $0xFFFFFF00, s15;
	[sflag:s20] =	ssyncset.done @!p0 $0x0  }
0x4d: {  	s22 =	sadd.s32 $0xFFFFFFFF, s24;
	[sflag:s20] =	ssyncadd.s32 @!p0 $0xFFFFC000;
	p0 =	por !p6, !p5  }
0x4e: {  	p2 =	slt.s32 s28, $0x18621;
	s21 =	sadd.s32 $0xFFFFFE80, s15;
	s23 =	simm.s32 @!p0 $0x0  }
0x4f: {  	p4 =	slt.u32 s29, $0x19;
	s31 =	rddreg [dreg:$0x4];
	s23 =	simm.s32 @p0 $0x1  }
0x50: {  	p1 =	sne.s32 s24, $0x1F;
	[smem:$0x7F9] =	sst s23;
	s23 =	sadd.s32 s24, s31  }
0x51: {  	p6 =	sgt.u32 s22, $0x18;
	s24 =	sadd.s32 $0xFFFFFFFA, s24;
	s31 =	sadd.s32 $0xFFFFFFFD, s23  }
0x52: {  	s26 =	sadd.s32 $0xFFFFFFFE, s23;
	s20 =	sadd.s32 $0xFFFFFFFF, s23;
	p3 =	slt.u32 s31, $0x30D  }
0x53: {  	p5 =	slt.u32 s26, $0x30D;
	p0 =	por !p1, !p3;
	p1 =	slt.u32 s30, $0x19  }
0x54: {  	p4 =	por !p4, !p5;
	p5 =	por !p0, !p0;
	p3 =	por !p1, !p2  }
0x55: {  	p2 =	sgt.u32 s24, $0x18;
	s25 =	simm.s32 @p5 $0x80;
	s22 =	simm.s32 @p5 $0xC80  }
0x56: {  	p0 =	por !p3, !p3;
	p3 =	sgt.u32 @!p6 s20, $0x30C;
	p1 =	sgt.s32 @!p2 s21, $0x18620  }
0x57: {  	s26 =	simm.s32 @p0 $0x3;
	s28 =	sadd.s32 @p0 s16, s10;
	s29 =	simm.s32 @p0 $0x8C80  }
0x58: {  	[tilespmem:s22], [sflag:$0x1] =	stream.indirect.gather @p5 [hbm4b:s2+s25], $0x80, s18, s25, $0xb8;
	[tilespmem:$0x10C80] =	vst v63  }
0x59: {  	s30 =	simm.s32 @p0 $0x0;
	s28 =	sadd.s32 @p0 $0xFFFFF000, s28;
	_ =	swait.ge @p0 [sflag:s26], $0x4000  }
0x5a: {  	p2 =	por p1, p2;
	s28 =	sand.u32 @p0 $0x1FFFF800, s28;
	[sflag:s26] =	ssyncset.done @p0 $0x0  }
0x5b: {  	s24 =	simm.s32 @!p2 $0x6;
	s20 =	sadd.s32 @p0 s3, s28;
	[sflag:s26] =	ssyncadd.s32 @p0 $0xFFFFC000  }
0x5c: {  	[hbm4b:s20+s30] =	stream.linear.scatter @p0 [tilespmem:s29], [sflag:$0x7], $0x4000, $0x38;
	[tilespmem:$0x10C80] =	vst v63  }
0x5d: {  	p4 =	por !p4, !p4;
	_ =	swait.ge @!p2 [sflag:s24], $0x4000  }
0x5e: {  	s25 =	simm.s32 @p4 $0x80;
	[sflag:s24] =	ssyncset.done @!p2 $0x0;
	s29 =	sld [smem:$0x7F9]  }
0x5f: {  	s20 =	simm.s32 @p4 $0x4C80;
	[sflag:s24] =	ssyncadd.s32 @!p2 $0xFFFFC000;
	s24 =	sadd.s32 @p4 $0x80, s18  }
0x60: {  	[tilespmem:s20], [sflag:$0x2] =	stream.indirect.gather @p4 [hbm4b:s2+s25], $0x80, s24, s25, $0xb8;
	[tilespmem:$0x10C80] =	vst v63  }
0x61: {  	p1 =	seq.s32 s29, $0x1  }
0x62: {  	p2 =	por p3, p6;
	p1 =	por !p1, !p1  }
0x63: {  	s26 =	sadd.s32 @p1 s16, s10;
	s24 =	simm.s32 @p1 $0x4;
	s28 =	simm.s32 @p1 $0xCC80  }
0x64: {  	s29 =	simm.s32 @p1 $0x0;
	s25 =	sadd.s32 @p1 $0xFFFFF800, s26;
	_ =	swait.ge @p1 [sflag:s24], $0x4000  }
0x65: {  	s26 =	simm.s32 @p0 $0x7;
	s25 =	sand.u32 @p1 $0x1FFFF800, s25;
	[sflag:s24] =	ssyncset.done @p1 $0x0  }
0x66: {  	s30 =	sld [smem:$0x7FA];
	s25 =	sadd.s32 @p1 s3, s25;
	[sflag:s24] =	ssyncadd.s32 @p1 $0xFFFFC000  }
0x67: {  	[hbm4b:s25+s29] =	stream.linear.scatter @p1 [tilespmem:s28], [sflag:$0x8], $0x4000, $0x38;
	[tilespmem:$0x10C80] =	vst v63  }
0x68: {  	s24 =	simm.s32 @!p2 $0x8C80;
	s25 =	simm.s32 @!p2 $0x80;
	_ =	swait.ge @p0 [sflag:s26], $0x4000  }
0x69: {  	s28 =	simm.s32 @p5 $0x1;
	p6 =	seq.s32 s30, $0x1;
	[sflag:s26] =	ssyncset.done @p0 $0x0  }
0x6a: {  	p3 =	sgt.u32 @!p6 s23, $0x30C;
	s23 =	sadd.s32 @!p2 $0x100, s18;
	[sflag:s26] =	ssyncadd.s32 @p0 $0xFFFFC000  }
0x6b: {  	[tilespmem:s24], [sflag:$0x3] =	stream.indirect.gather @!p2 [hbm4b:s2+s25], $0x80, s23, s25, $0xb8;
	[tilespmem:$0x10C80] =	vst v63  }
0x6c: {  	_ =	swait.ge @p5 [sflag:s28], $0x4000  }
0x6d: {  	s23 =	sadd.s32 @p5 s17, s10;
	[sflag:s28] =	ssyncset.done @p5 $0x0  }
0x6e: {  	s24 =	simm.s32 @p5 $0x0;
	s25 =	simm.s32 @p1 $0x8;
	[sflag:s28] =	ssyncadd.s32 @p5 $0xFFFFC000  }
0x6f: {  	[hbm4b:s23+s24] =	stream.linear.scatter @p5 [tilespmem:s22], [sflag:$0x5], $0x4000, $0x38;
	[tilespmem:$0x10C80] =	vst v63  }
0x70: {  	_ =	swait.ge @p1 [sflag:s25], $0x4000  }
0x71: {  	s31 =	sld [smem:$0x7FB];
	_ =	sdelay $0x1  }
0x72: {  	[sflag:s25] =	ssyncset.done @p1 $0x0  }
0x73: {  	[sflag:s25] =	ssyncadd.s32 @p1 $0xFFFFC000;
	p1 =	seq.s32 s31, $0x1  }
.Ltmp0:
0x74: {  	_ = 	snop;
	(pc) =	sbr.rel @p1 .LBB2_2-.Ltmp0, $4  }
0x75: {  	s19 =	smov.u32 s18;
	s15 =	sadd.s32 $0x200, s15;
	s21 =	sadd.s32 @p4 s17, s10  }
0x76: {  	s21 =	sadd.s32 @p4 $0x800, s21;
	s16 =	sadd.s32 $0x2000, s16;
	p0 =	por p3, p6  }
0x77: {  	s18 =	sadd.s32 $0x200, s18;
	s17 =	sadd.s32 $0x2000, s17;
	s19 =	sadd.s32 @!p0 $0x180, s19  }
0x78: {  	s23 =	simm.s32 @!p0 $0xCC80;
	s22 =	simm.s32 @p4 $0x2;
	s24 =	simm.s32 @!p0 $0x80  }
0x79: {  	[tilespmem:s23], [sflag:$0x4] =	stream.indirect.gather @!p0 [hbm4b:s2+s24], $0x80, s19, s24, $0xb8;
	[tilespmem:$0x10C80] =	vst v63  }
0x7a: {  	_ =	swait.ge @p4 [sflag:s22], $0x4000  }
0x7b: {  	[sflag:s22] =	ssyncset.done @p4 $0x0;
	s31 =	sld [smem:$0x7FD]  }
0x7c: {  	s14 =	simm.s32 @p4 $0x0;
	[sflag:s22] =	ssyncadd.s32 @p4 $0xFFFFC000  }
0x7d: {  	[hbm4b:s21+s14] =	stream.linear.scatter @p4 [tilespmem:s20], [sflag:$0x6], $0x4000, $0x38;
	[tilespmem:$0x10C80] =	vst v63  }
0x7e: {  	p1 =	seq.s32 s31, $0x1  }
0x7f: {  	s14 =	simm.s32 @!p1 $0x20;
	s15 =	simm.s32 @!p1 $0x300;
	s16 =	simm.s32 @!p1 $0xC80  }
0x80: {  	[tilespmem:s16], [sflag:$0x1] =	stream.indirect.gather @!p1 [hbm4b:s2+s14], $0x80, s15, s14, $0xb8;
	[tilespmem:$0x10C80] =	vst v63  }
0x81: {  	s14 =	simm.s32 @!p1 $0x1  }
0x82: {  	_ =	swait.ge @!p1 [sflag:s14], $0x1000  }
0x83: {  	s13 =	sadd.s32 $0x1, s13;
	[sflag:s14] =	ssyncset.done @!p1 $0x0  }
0x84: {  	p0 =	sne.s32 s13, s9;
	[sflag:s14] =	ssyncadd.s32 @!p1 $0xFFFFF000;
	s14 =	simm.s32 @!p1 $0x0  }
0x85: {  	[hbm4b:s8+s14] =	stream.linear.scatter @!p1 [tilespmem:s16], [sflag:$0x9], $0x1000, $0x38;
	[tilespmem:$0x10C80] =	vst v63  }
.Ltmp1:
0x86: {  	_ = 	snop;
	(pc) =	sbr.rel @p0 .LBB2_1-.Ltmp1, $4  }
0x87: {  	s14 =	simm.s32 @!p1 $0x9  }
0x88: {  	_ =	swait.ge @!p1 [sflag:s14], $0x1000  }
0x89: {  	[sflag:s14] =	ssyncset.done @!p1 $0x0  }
0x8a: {  	[sflag:s14] =	ssyncadd.s32 @!p1 $0xFFFFF000  }
0x8b: {  	_ =	sfence.sel $0x180000  }
0x8c: {  	[bflag:$0x0] =	sbarrier.arrive $0xFFFF  }
0x8d: {  	p0 =	sne.s32 s0, $0x0;
	_ =	strace $0x90000047  }
0x8e: {  	s0 =	sadd.s32 @!p0 $0x100000, s1;
	[bflag:$0x2] =	sbarrier.arrive $0xFFFF  }
0x8f: {  	[sflag:s0] =	ssyncadd.tile.s32 @!p0 $0x1;
	_ =	shalt  }
.Lfunc_end2:
_tile_overlayer_lowered:
.L_overlay_start_2:
0x90: {  	(tag) =	ssettag $0x2  }
0x91: {  	s0 =	rddreg [dreg:$0x0];
	s2 =	stileid.u32  }
0x92: {  	s1 =	rddreg [dreg:$0x1];
	p0 =	sne.s32 s2, $0x0  }
0x93: {  	s3 =	rddreg [dreg:$0x2];
	[bflag:$0x3] =	sbarrier.arrive $0xFFFF;
	s2 =	simm.s32 @!p0 $0x1C09  }
0x94: {  	[timem:s3], [sflag:s2] =	dma.local @!p0 [hbm:s0], s1  }
0x95: {  	s0 =	simm.s32 @!p0 $0x9  }
0x96: {  	_ =	swait.ge @!p0 [sflag:s0], s1  }
0x97: {  	s1 =	ssub.s32 @!p0 $0x0, s1;
	[sflag:s0] =	ssyncset.done @!p0 $0x0  }
0x98: {  	[sflag:s0] =	ssyncadd.s32 @!p0 s1  }
0x99: {  	[bflag:$0x3] =	sbarrier.arrive $0xFFFF  }
0x9a: {  	_ =	shalt  }

</sc_bundles>
